<compile_context>
chip_gen: v7x
topology: tpu7x:2x2x1
jax: 0.10.2.dev20260603
libtpu: 0.0.44.dev20260713+nightly
codegen_flags: <defaults>
</compile_context>

<pallas_src>
import functools

import jax
import jax.numpy as jnp
from jax import lax
from jax.experimental import pallas as pl
from jax.experimental.pallas import tpu as pltpu
from jax.experimental.pallas import tpu_sc as plsc

N = 100000
D = 128
M = 25000

NUM_CORES = 2
NUM_SUBCORES = 16
NW = NUM_CORES * NUM_SUBCORES
B_PER_W = 784
M_PAD = B_PER_W * NW
CHUNK = 112
N_CHUNKS = B_PER_W // CHUNK

_MESH = plsc.VectorSubcoreMesh(core_axis_name="c", subcore_axis_name="s")


@functools.partial(
    pl.kernel,
    out_type=jax.ShapeDtypeStruct((M_PAD, D), jnp.float32),
    mesh=_MESH,
    scratch_types=[
        pltpu.VMEM((B_PER_W,), jnp.int32),
        pltpu.VMEM((B_PER_W, D), jnp.float32),
        [pltpu.SemaphoreType.DMA] * N_CHUNKS,
        pltpu.SemaphoreType.DMA,
    ],
)
def _sc_gather(feat_hbm, idx_hbm, out_hbm, idx_v, rows_v, gsems, store_sem):
    wid = lax.axis_index("s") * NUM_CORES + lax.axis_index("c")
    base = wid * B_PER_W
    pltpu.sync_copy(idx_hbm.at[pl.ds(base, B_PER_W)], idx_v)
    gathers = []
    for j in range(N_CHUNKS):
        gathers.append(
            pltpu.async_copy(
                feat_hbm.at[idx_v.at[pl.ds(j * CHUNK, CHUNK)]],
                rows_v.at[pl.ds(j * CHUNK, CHUNK)],
                gsems[j],
            )
        )
    del store_sem
    for g in gathers:
        g.wait()
    pltpu.sync_copy(rows_v, out_hbm.at[pl.ds(base, B_PER_W)])


def _mm_body(g_ref, w_ref, b_ref, o_ref):
    o_ref[...] = (
        lax.dot_general(
            g_ref[...], w_ref[...], (((1,), (1,)), ((), ())),
            preferred_element_type=jnp.float32,
        )
        + b_ref[...]
    )


_TM = 12544


def _tc_matmul(gathered, w2, b2):
    return pl.pallas_call(
        _mm_body,
        grid=(M_PAD // _TM,),
        in_specs=[
            pl.BlockSpec((_TM, D), lambda i: (i, 0)),
            pl.BlockSpec((D, D), lambda i: (0, 0)),
            pl.BlockSpec((1, D), lambda i: (0, 0)),
        ],
        out_specs=pl.BlockSpec((_TM, D), lambda i: (i, 0)),
        out_shape=jax.ShapeDtypeStruct((M, D), jnp.float32),
    )(gathered, w2, b2)


def kernel(feat, gtensor, itensor, idi, W, b):
    del gtensor, itensor
    d_out = W.shape[0]
    d_in = W.shape[-1]
    idx_pad = jnp.concatenate(
        [idi, jnp.arange(M_PAD - M, dtype=jnp.int32)]
    )
    gathered = _sc_gather(feat, idx_pad)
    w2 = W.reshape(d_out, d_in)
    b2 = b.reshape(1, D)
    return _tc_matmul(gathered, w2, b2)

# --- scband reference (transcript-rebuilt; emitter-appended) ---
"""Pipeline reference for scband-network-12403865551324 (READ-ONLY COPY).

The authoritative reference and input builder live on the scoring server;
editing this copy changes nothing except your own understanding.
"""

import jax, jax.numpy as jnp
import numpy as np

N = 100000
D_IN = 128
D_OUT = 128
M = 25000


def setup_inputs(seed: int = 0) -> dict:
    key = jax.random.key(seed)
    k1, k2, k3, k4, k5, k6 = jax.random.split(key, 6)
    feat = jax.random.normal(k1, (N, D_IN), dtype=jnp.float32)
    gtensor = jax.random.normal(k2, (N, 4), dtype=jnp.float32)
    itensor = jax.random.randint(k3, (N, 2), 0, 512, dtype=jnp.int32)
    idi = jax.random.randint(k4, (M,), 0, N, dtype=jnp.int32)
    # kaiming-uniform-like init matching _init_param (fan_in = d_in * 1 * 1)
    fan_in = D_IN
    gain = np.sqrt(2.0 / (1.0 + 5.0))  # leaky_relu gain with a=sqrt(5)
    w_bound = gain * np.sqrt(3.0 / fan_in)
    W = jax.random.uniform(k5, (D_OUT, 1, 1, D_IN), minval=-w_bound, maxval=w_bound, dtype=jnp.float32)
    b_bound = 1.0 / np.sqrt(fan_in)
    b = jax.random.uniform(k6, (D_OUT,), minval=-b_bound, maxval=b_bound, dtype=jnp.float32)
    return {"feat": feat, "gtensor": gtensor, "itensor": itensor, "idi": idi, "W": W, "b": b}


def reference(feat, gtensor, itensor, idi, W, b):
    # FrustConv2D forward, conv1x1 + downsample branch with idi provided:
    #   sample_idx = idi expanded; gathered = feat.gather(0, sample_idx)
    #   out = mm(W.view(d_out, d_in), gathered.T).T + bias
    d_out = W.shape[0]
    d_in = W.shape[-1]
    gathered = jnp.take(feat, idi, axis=0)  # [M, d_in] gather (SparseCore-friendly)
    out_features = jnp.matmul(W.reshape(d_out, d_in), gathered.T).T
    out_features = out_features + b
    # sampled_itensor/gtensor are pass-through metadata of the FrustConvTensor
    return out_features

if __name__ == "__main__":
    import jax
    _d = setup_inputs()
    print(jax.jit(kernel)(*tuple(_d.values())))

</pallas_src>

<mosaic_0001>
#map = affine_map<(d0, d1) -> (0, 0)>
#map1 = affine_map<(d0, d1) -> (0)>
module attributes {stable_mosaic.version = 14 : i64} {
  func.func @_sc_gather(%arg0: i32, %arg1: i32, %arg2: memref<100000x128xf32, #tpu.memory_space<hbm>>, %arg3: memref<25088xi32, #tpu.memory_space<hbm>>, %arg4: memref<25088x128xf32, #tpu.memory_space<hbm>>, %arg5: memref<784xi32, #tpu.memory_space<vmem>>, %arg6: memref<784x128xf32, #tpu.memory_space<vmem>>, %arg7: memref<!tpu.dma_semaphore, #tpu.memory_space<semaphore_mem>>, %arg8: memref<!tpu.dma_semaphore, #tpu.memory_space<semaphore_mem>>, %arg9: memref<!tpu.dma_semaphore, #tpu.memory_space<semaphore_mem>>, %arg10: memref<!tpu.dma_semaphore, #tpu.memory_space<semaphore_mem>>, %arg11: memref<!tpu.dma_semaphore, #tpu.memory_space<semaphore_mem>>, %arg12: memref<!tpu.dma_semaphore, #tpu.memory_space<semaphore_mem>>, %arg13: memref<!tpu.dma_semaphore, #tpu.memory_space<semaphore_mem>>, %arg14: memref<!tpu.dma_semaphore, #tpu.memory_space<semaphore_mem>>) attributes {dimension_semantics = [#tpu.dimension_semantics<core_parallel>, #tpu.dimension_semantics<subcore_parallel>], iteration_bounds = array<i64: 2, 16>, scalar_prefetch = 0 : i64, scratch_operands = 10 : i64, tpu.core_type = #tpu.core_type<sc_vector_subcore>, window_params = [{transform_indices = #map}, {transform_indices = #map1}, {transform_indices = #map}]} {
    %mul3A = arith.constant 2 : i32
    %mul3A_0 = arith.muli %arg1, %mul3A : i32
    %add3A = arith.addi %mul3A_0, %arg0 : i32
    %mul3A_1 = arith.constant 784 : i32
    %mul3A_2 = arith.muli %add3A, %mul3A_1 : i32
    "tpu.region"() ({
      %run_scoped3A = tpu.sem_alloc : memref<!tpu.dma_semaphore, #tpu.memory_space<semaphore_mem>>
      %dma_start3A_113 = tpu.memref_slice %arg3[%mul3A_2] : memref<25088xi32, #tpu.memory_space<hbm>> -> memref<784xi32, #tpu.memory_space<hbm>>
      %dma_start3A_114 = tpu.memref_slice %arg3[%mul3A_2] : memref<25088xi32, #tpu.memory_space<hbm>> -> memref<784xi32, #tpu.memory_space<hbm>>
      tpu.enqueue_dma source(%dma_start3A_114 : memref<784xi32, #tpu.memory_space<hbm>>) target(%arg5 : memref<784xi32, #tpu.memory_space<vmem>>) target_semaphore(%run_scoped3A : memref<!tpu.dma_semaphore, #tpu.memory_space<semaphore_mem>>)
      %dma_wait3A_115 = tpu.memref_slice %arg3[%mul3A_2] : memref<25088xi32, #tpu.memory_space<hbm>> -> memref<784xi32, #tpu.memory_space<hbm>>
      %dma_wait3A_116 = tpu.memref_slice %arg3[%mul3A_2] : memref<25088xi32, #tpu.memory_space<hbm>> -> memref<784xi32, #tpu.memory_space<hbm>>
      tpu.wait_dma2 semaphore(%run_scoped3A : memref<!tpu.dma_semaphore, #tpu.memory_space<semaphore_mem>>) src(%dma_wait3A_116 : memref<784xi32, #tpu.memory_space<hbm>>) dst(%arg5 : memref<784xi32, #tpu.memory_space<vmem>>)
      tpu.yield
    }) : () -> ()
    %dma_start3A = arith.constant 0 : i32
    %dma_start3A_3 = arith.constant 0 : i32
    %dma_start3A_4 = tpu.memref_slice %arg6[%dma_start3A, %dma_start3A_3] : memref<784x128xf32, #tpu.memory_space<vmem>> -> memref<112x128xf32, #tpu.memory_space<vmem>>
    %dma_start3A_5 = arith.constant 0 : i32
    %dma_start3A_6 = tpu.memref_slice %arg5[%dma_start3A_5] : memref<784xi32, #tpu.memory_space<vmem>> -> memref<112xi32, #tpu.memory_space<vmem>>
    %dma_start3A_7 = arith.constant 0 : i32
    %dma_start3A_8 = arith.constant 0 : i32
    %dma_start3A_9 = tpu.memref_slice %arg2[%dma_start3A_7, %dma_start3A_8] : memref<100000x128xf32, #tpu.memory_space<hbm>> -> memref<100000x128xf32, #tpu.memory_space<hbm>>
    tpu.enqueue_indirect_dma source(%dma_start3A_9 : memref<100000x128xf32, #tpu.memory_space<hbm>>) target(%dma_start3A_4 : memref<112x128xf32, #tpu.memory_space<vmem>>) offsets(%dma_start3A_6 : memref<112xi32, #tpu.memory_space<vmem>>) semaphore(%arg7 : memref<!tpu.dma_semaphore, #tpu.memory_space<semaphore_mem>>)
    %dma_start3A_10 = arith.constant 112 : i32
    %dma_start3A_11 = arith.constant 0 : i32
    %dma_start3A_12 = tpu.memref_slice %arg6[%dma_start3A_10, %dma_start3A_11] : memref<784x128xf32, #tpu.memory_space<vmem>> -> memref<112x128xf32, #tpu.memory_space<vmem>>
    %dma_start3A_13 = arith.constant 112 : i32
    %dma_start3A_14 = tpu.memref_slice %arg5[%dma_start3A_13] : memref<784xi32, #tpu.memory_space<vmem>> -> memref<112xi32, #tpu.memory_space<vmem>>
    %dma_start3A_15 = arith.constant 0 : i32
    %dma_start3A_16 = arith.constant 0 : i32
    %dma_start3A_17 = tpu.memref_slice %arg2[%dma_start3A_15, %dma_start3A_16] : memref<100000x128xf32, #tpu.memory_space<hbm>> -> memref<100000x128xf32, #tpu.memory_space<hbm>>
    tpu.enqueue_indirect_dma source(%dma_start3A_17 : memref<100000x128xf32, #tpu.memory_space<hbm>>) target(%dma_start3A_12 : memref<112x128xf32, #tpu.memory_space<vmem>>) offsets(%dma_start3A_14 : memref<112xi32, #tpu.memory_space<vmem>>) semaphore(%arg8 : memref<!tpu.dma_semaphore, #tpu.memory_space<semaphore_mem>>)
    %dma_start3A_18 = arith.constant 224 : i32
    %dma_start3A_19 = arith.constant 0 : i32
    %dma_start3A_20 = tpu.memref_slice %arg6[%dma_start3A_18, %dma_start3A_19] : memref<784x128xf32, #tpu.memory_space<vmem>> -> memref<112x128xf32, #tpu.memory_space<vmem>>
    %dma_start3A_21 = arith.constant 224 : i32
    %dma_start3A_22 = tpu.memref_slice %arg5[%dma_start3A_21] : memref<784xi32, #tpu.memory_space<vmem>> -> memref<112xi32, #tpu.memory_space<vmem>>
    %dma_start3A_23 = arith.constant 0 : i32
    %dma_start3A_24 = arith.constant 0 : i32
    %dma_start3A_25 = tpu.memref_slice %arg2[%dma_start3A_23, %dma_start3A_24] : memref<100000x128xf32, #tpu.memory_space<hbm>> -> memref<100000x128xf32, #tpu.memory_space<hbm>>
    tpu.enqueue_indirect_dma source(%dma_start3A_25 : memref<100000x128xf32, #tpu.memory_space<hbm>>) target(%dma_start3A_20 : memref<112x128xf32, #tpu.memory_space<vmem>>) offsets(%dma_start3A_22 : memref<112xi32, #tpu.memory_space<vmem>>) semaphore(%arg9 : memref<!tpu.dma_semaphore, #tpu.memory_space<semaphore_mem>>)
    %dma_start3A_26 = arith.constant 336 : i32
    %dma_start3A_27 = arith.constant 0 : i32
    %dma_start3A_28 = tpu.memref_slice %arg6[%dma_start3A_26, %dma_start3A_27] : memref<784x128xf32, #tpu.memory_space<vmem>> -> memref<112x128xf32, #tpu.memory_space<vmem>>
    %dma_start3A_29 = arith.constant 336 : i32
    %dma_start3A_30 = tpu.memref_slice %arg5[%dma_start3A_29] : memref<784xi32, #tpu.memory_space<vmem>> -> memref<112xi32, #tpu.memory_space<vmem>>
    %dma_start3A_31 = arith.constant 0 : i32
    %dma_start3A_32 = arith.constant 0 : i32
    %dma_start3A_33 = tpu.memref_slice %arg2[%dma_start3A_31, %dma_start3A_32] : memref<100000x128xf32, #tpu.memory_space<hbm>> -> memref<100000x128xf32, #tpu.memory_space<hbm>>
    tpu.enqueue_indirect_dma source(%dma_start3A_33 : memref<100000x128xf32, #tpu.memory_space<hbm>>) target(%dma_start3A_28 : memref<112x128xf32, #tpu.memory_space<vmem>>) offsets(%dma_start3A_30 : memref<112xi32, #tpu.memory_space<vmem>>) semaphore(%arg10 : memref<!tpu.dma_semaphore, #tpu.memory_space<semaphore_mem>>)
    %dma_start3A_34 = arith.constant 448 : i32
    %dma_start3A_35 = arith.constant 0 : i32
    %dma_start3A_36 = tpu.memref_slice %arg6[%dma_start3A_34, %dma_start3A_35] : memref<784x128xf32, #tpu.memory_space<vmem>> -> memref<112x128xf32, #tpu.memory_space<vmem>>
    %dma_start3A_37 = arith.constant 448 : i32
    %dma_start3A_38 = tpu.memref_slice %arg5[%dma_start3A_37] : memref<784xi32, #tpu.memory_space<vmem>> -> memref<112xi32, #tpu.memory_space<vmem>>
    %dma_start3A_39 = arith.constant 0 : i32
    %dma_start3A_40 = arith.constant 0 : i32
    %dma_start3A_41 = tpu.memref_slice %arg2[%dma_start3A_39, %dma_start3A_40] : memref<100000x128xf32, #tpu.memory_space<hbm>> -> memref<100000x128xf32, #tpu.memory_space<hbm>>
    tpu.enqueue_indirect_dma source(%dma_start3A_41 : memref<100000x128xf32, #tpu.memory_space<hbm>>) target(%dma_start3A_36 : memref<112x128xf32, #tpu.memory_space<vmem>>) offsets(%dma_start3A_38 : memref<112xi32, #tpu.memory_space<vmem>>) semaphore(%arg11 : memref<!tpu.dma_semaphore, #tpu.memory_space<semaphore_mem>>)
    %dma_start3A_42 = arith.constant 560 : i32
    %dma_start3A_43 = arith.constant 0 : i32
    %dma_start3A_44 = tpu.memref_slice %arg6[%dma_start3A_42, %dma_start3A_43] : memref<784x128xf32, #tpu.memory_space<vmem>> -> memref<112x128xf32, #tpu.memory_space<vmem>>
    %dma_start3A_45 = arith.constant 560 : i32
    %dma_start3A_46 = tpu.memref_slice %arg5[%dma_start3A_45] : memref<784xi32, #tpu.memory_space<vmem>> -> memref<112xi32, #tpu.memory_space<vmem>>
    %dma_start3A_47 = arith.constant 0 : i32
    %dma_start3A_48 = arith.constant 0 : i32
    %dma_start3A_49 = tpu.memref_slice %arg2[%dma_start3A_47, %dma_start3A_48] : memref<100000x128xf32, #tpu.memory_space<hbm>> -> memref<100000x128xf32, #tpu.memory_space<hbm>>
    tpu.enqueue_indirect_dma source(%dma_start3A_49 : memref<100000x128xf32, #tpu.memory_space<hbm>>) target(%dma_start3A_44 : memref<112x128xf32, #tpu.memory_space<vmem>>) offsets(%dma_start3A_46 : memref<112xi32, #tpu.memory_space<vmem>>) semaphore(%arg12 : memref<!tpu.dma_semaphore, #tpu.memory_space<semaphore_mem>>)
    %dma_start3A_50 = arith.constant 672 : i32
    %dma_start3A_51 = arith.constant 0 : i32
    %dma_start3A_52 = tpu.memref_slice %arg6[%dma_start3A_50, %dma_start3A_51] : memref<784x128xf32, #tpu.memory_space<vmem>> -> memref<112x128xf32, #tpu.memory_space<vmem>>
    %dma_start3A_53 = arith.constant 672 : i32
    %dma_start3A_54 = tpu.memref_slice %arg5[%dma_start3A_53] : memref<784xi32, #tpu.memory_space<vmem>> -> memref<112xi32, #tpu.memory_space<vmem>>
    %dma_start3A_55 = arith.constant 0 : i32
    %dma_start3A_56 = arith.constant 0 : i32
    %dma_start3A_57 = tpu.memref_slice %arg2[%dma_start3A_55, %dma_start3A_56] : memref<100000x128xf32, #tpu.memory_space<hbm>> -> memref<100000x128xf32, #tpu.memory_space<hbm>>
    tpu.enqueue_indirect_dma source(%dma_start3A_57 : memref<100000x128xf32, #tpu.memory_space<hbm>>) target(%dma_start3A_52 : memref<112x128xf32, #tpu.memory_space<vmem>>) offsets(%dma_start3A_54 : memref<112xi32, #tpu.memory_space<vmem>>) semaphore(%arg13 : memref<!tpu.dma_semaphore, #tpu.memory_space<semaphore_mem>>)
    %dma_wait3A = arith.constant 0 : i32
    %dma_wait3A_58 = arith.constant 0 : i32
    %dma_wait3A_59 = tpu.memref_slice %arg6[%dma_wait3A, %dma_wait3A_58] : memref<784x128xf32, #tpu.memory_space<vmem>> -> memref<112x128xf32, #tpu.memory_space<vmem>>
    %dma_wait3A_60 = arith.constant 0 : i32
    %dma_wait3A_61 = tpu.memref_slice %arg5[%dma_wait3A_60] : memref<784xi32, #tpu.memory_space<vmem>> -> memref<112xi32, #tpu.memory_space<vmem>>
    %dma_wait3A_62 = arith.constant 0 : i32
    %dma_wait3A_63 = arith.constant 0 : i32
    %dma_wait3A_64 = tpu.memref_slice %arg2[%dma_wait3A_62, %dma_wait3A_63] : memref<100000x128xf32, #tpu.memory_space<hbm>> -> memref<100000x128xf32, #tpu.memory_space<hbm>>
    tpu.wait_indirect_dma semaphore(%arg7 : memref<!tpu.dma_semaphore, #tpu.memory_space<semaphore_mem>>) src(%dma_wait3A_64 : memref<100000x128xf32, #tpu.memory_space<hbm>>) dst(%dma_wait3A_59 : memref<112x128xf32, #tpu.memory_space<vmem>>)
    %dma_wait3A_65 = arith.constant 112 : i32
    %dma_wait3A_66 = arith.constant 0 : i32
    %dma_wait3A_67 = tpu.memref_slice %arg6[%dma_wait3A_65, %dma_wait3A_66] : memref<784x128xf32, #tpu.memory_space<vmem>> -> memref<112x128xf32, #tpu.memory_space<vmem>>
    %dma_wait3A_68 = arith.constant 112 : i32
    %dma_wait3A_69 = tpu.memref_slice %arg5[%dma_wait3A_68] : memref<784xi32, #tpu.memory_space<vmem>> -> memref<112xi32, #tpu.memory_space<vmem>>
    %dma_wait3A_70 = arith.constant 0 : i32
    %dma_wait3A_71 = arith.constant 0 : i32
    %dma_wait3A_72 = tpu.memref_slice %arg2[%dma_wait3A_70, %dma_wait3A_71] : memref<100000x128xf32, #tpu.memory_space<hbm>> -> memref<100000x128xf32, #tpu.memory_space<hbm>>
    tpu.wait_indirect_dma semaphore(%arg8 : memref<!tpu.dma_semaphore, #tpu.memory_space<semaphore_mem>>) src(%dma_wait3A_72 : memref<100000x128xf32, #tpu.memory_space<hbm>>) dst(%dma_wait3A_67 : memref<112x128xf32, #tpu.memory_space<vmem>>)
    %dma_wait3A_73 = arith.constant 224 : i32
    %dma_wait3A_74 = arith.constant 0 : i32
    %dma_wait3A_75 = tpu.memref_slice %arg6[%dma_wait3A_73, %dma_wait3A_74] : memref<784x128xf32, #tpu.memory_space<vmem>> -> memref<112x128xf32, #tpu.memory_space<vmem>>
    %dma_wait3A_76 = arith.constant 224 : i32
    %dma_wait3A_77 = tpu.memref_slice %arg5[%dma_wait3A_76] : memref<784xi32, #tpu.memory_space<vmem>> -> memref<112xi32, #tpu.memory_space<vmem>>
    %dma_wait3A_78 = arith.constant 0 : i32
    %dma_wait3A_79 = arith.constant 0 : i32
    %dma_wait3A_80 = tpu.memref_slice %arg2[%dma_wait3A_78, %dma_wait3A_79] : memref<100000x128xf32, #tpu.memory_space<hbm>> -> memref<100000x128xf32, #tpu.memory_space<hbm>>
    tpu.wait_indirect_dma semaphore(%arg9 : memref<!tpu.dma_semaphore, #tpu.memory_space<semaphore_mem>>) src(%dma_wait3A_80 : memref<100000x128xf32, #tpu.memory_space<hbm>>) dst(%dma_wait3A_75 : memref<112x128xf32, #tpu.memory_space<vmem>>)
    %dma_wait3A_81 = arith.constant 336 : i32
    %dma_wait3A_82 = arith.constant 0 : i32
    %dma_wait3A_83 = tpu.memref_slice %arg6[%dma_wait3A_81, %dma_wait3A_82] : memref<784x128xf32, #tpu.memory_space<vmem>> -> memref<112x128xf32, #tpu.memory_space<vmem>>
    %dma_wait3A_84 = arith.constant 336 : i32
    %dma_wait3A_85 = tpu.memref_slice %arg5[%dma_wait3A_84] : memref<784xi32, #tpu.memory_space<vmem>> -> memref<112xi32, #tpu.memory_space<vmem>>
    %dma_wait3A_86 = arith.constant 0 : i32
    %dma_wait3A_87 = arith.constant 0 : i32
    %dma_wait3A_88 = tpu.memref_slice %arg2[%dma_wait3A_86, %dma_wait3A_87] : memref<100000x128xf32, #tpu.memory_space<hbm>> -> memref<100000x128xf32, #tpu.memory_space<hbm>>
    tpu.wait_indirect_dma semaphore(%arg10 : memref<!tpu.dma_semaphore, #tpu.memory_space<semaphore_mem>>) src(%dma_wait3A_88 : memref<100000x128xf32, #tpu.memory_space<hbm>>) dst(%dma_wait3A_83 : memref<112x128xf32, #tpu.memory_space<vmem>>)
    %dma_wait3A_89 = arith.constant 448 : i32
    %dma_wait3A_90 = arith.constant 0 : i32
    %dma_wait3A_91 = tpu.memref_slice %arg6[%dma_wait3A_89, %dma_wait3A_90] : memref<784x128xf32, #tpu.memory_space<vmem>> -> memref<112x128xf32, #tpu.memory_space<vmem>>
    %dma_wait3A_92 = arith.constant 448 : i32
    %dma_wait3A_93 = tpu.memref_slice %arg5[%dma_wait3A_92] : memref<784xi32, #tpu.memory_space<vmem>> -> memref<112xi32, #tpu.memory_space<vmem>>
    %dma_wait3A_94 = arith.constant 0 : i32
    %dma_wait3A_95 = arith.constant 0 : i32
    %dma_wait3A_96 = tpu.memref_slice %arg2[%dma_wait3A_94, %dma_wait3A_95] : memref<100000x128xf32, #tpu.memory_space<hbm>> -> memref<100000x128xf32, #tpu.memory_space<hbm>>
    tpu.wait_indirect_dma semaphore(%arg11 : memref<!tpu.dma_semaphore, #tpu.memory_space<semaphore_mem>>) src(%dma_wait3A_96 : memref<100000x128xf32, #tpu.memory_space<hbm>>) dst(%dma_wait3A_91 : memref<112x128xf32, #tpu.memory_space<vmem>>)
    %dma_wait3A_97 = arith.constant 560 : i32
    %dma_wait3A_98 = arith.constant 0 : i32
    %dma_wait3A_99 = tpu.memref_slice %arg6[%dma_wait3A_97, %dma_wait3A_98] : memref<784x128xf32, #tpu.memory_space<vmem>> -> memref<112x128xf32, #tpu.memory_space<vmem>>
    %dma_wait3A_100 = arith.constant 560 : i32
    %dma_wait3A_101 = tpu.memref_slice %arg5[%dma_wait3A_100] : memref<784xi32, #tpu.memory_space<vmem>> -> memref<112xi32, #tpu.memory_space<vmem>>
    %dma_wait3A_102 = arith.constant 0 : i32
    %dma_wait3A_103 = arith.constant 0 : i32
    %dma_wait3A_104 = tpu.memref_slice %arg2[%dma_wait3A_102, %dma_wait3A_103] : memref<100000x128xf32, #tpu.memory_space<hbm>> -> memref<100000x128xf32, #tpu.memory_space<hbm>>
    tpu.wait_indirect_dma semaphore(%arg12 : memref<!tpu.dma_semaphore, #tpu.memory_space<semaphore_mem>>) src(%dma_wait3A_104 : memref<100000x128xf32, #tpu.memory_space<hbm>>) dst(%dma_wait3A_99 : memref<112x128xf32, #tpu.memory_space<vmem>>)
    %dma_wait3A_105 = arith.constant 672 : i32
    %dma_wait3A_106 = arith.constant 0 : i32
    %dma_wait3A_107 = tpu.memref_slice %arg6[%dma_wait3A_105, %dma_wait3A_106] : memref<784x128xf32, #tpu.memory_space<vmem>> -> memref<112x128xf32, #tpu.memory_space<vmem>>
    %dma_wait3A_108 = arith.constant 672 : i32
    %dma_wait3A_109 = tpu.memref_slice %arg5[%dma_wait3A_108] : memref<784xi32, #tpu.memory_space<vmem>> -> memref<112xi32, #tpu.memory_space<vmem>>
    %dma_wait3A_110 = arith.constant 0 : i32
    %dma_wait3A_111 = arith.constant 0 : i32
    %dma_wait3A_112 = tpu.memref_slice %arg2[%dma_wait3A_110, %dma_wait3A_111] : memref<100000x128xf32, #tpu.memory_space<hbm>> -> memref<100000x128xf32, #tpu.memory_space<hbm>>
    tpu.wait_indirect_dma semaphore(%arg13 : memref<!tpu.dma_semaphore, #tpu.memory_space<semaphore_mem>>) src(%dma_wait3A_112 : memref<100000x128xf32, #tpu.memory_space<hbm>>) dst(%dma_wait3A_107 : memref<112x128xf32, #tpu.memory_space<vmem>>)
    "tpu.region"() ({
      %run_scoped3A = tpu.sem_alloc : memref<!tpu.dma_semaphore, #tpu.memory_space<semaphore_mem>>
      %dma_start3A_113 = arith.constant 0 : i32
      %dma_start3A_114 = tpu.memref_slice %arg4[%mul3A_2, %dma_start3A_113] : memref<25088x128xf32, #tpu.memory_space<hbm>> -> memref<784x128xf32, #tpu.memory_space<hbm>>
      %dma_start3A_115 = arith.constant 0 : i32
      %dma_start3A_116 = tpu.memref_slice %arg4[%mul3A_2, %dma_start3A_115] : memref<25088x128xf32, #tpu.memory_space<hbm>> -> memref<784x128xf32, #tpu.memory_space<hbm>>
      tpu.enqueue_dma source(%arg6 : memref<784x128xf32, #tpu.memory_space<vmem>>) target(%dma_start3A_116 : memref<784x128xf32, #tpu.memory_space<hbm>>) target_semaphore(%run_scoped3A : memref<!tpu.dma_semaphore, #tpu.memory_space<semaphore_mem>>)
      %dma_wait3A_117 = arith.constant 0 : i32
      %dma_wait3A_118 = tpu.memref_slice %arg4[%mul3A_2, %dma_wait3A_117] : memref<25088x128xf32, #tpu.memory_space<hbm>> -> memref<784x128xf32, #tpu.memory_space<hbm>>
      %dma_wait3A_119 = arith.constant 0 : i32
      %dma_wait3A_120 = tpu.memref_slice %arg4[%mul3A_2, %dma_wait3A_119] : memref<25088x128xf32, #tpu.memory_space<hbm>> -> memref<784x128xf32, #tpu.memory_space<hbm>>
      tpu.wait_dma2 semaphore(%run_scoped3A : memref<!tpu.dma_semaphore, #tpu.memory_space<semaphore_mem>>) src(%arg6 : memref<784x128xf32, #tpu.memory_space<vmem>>) dst(%dma_wait3A_120 : memref<784x128xf32, #tpu.memory_space<hbm>>)
      tpu.yield
    }) : () -> ()
    return
  }
}

module attributes {stable_mosaic.version = 14 : i64} {
  func.func @_mm_body(%arg0: i32, %arg1: memref<12544x128xf32, #tpu.memory_space<vmem>>, %arg2: memref<128x128xf32, #tpu.memory_space<vmem>>, %arg3: memref<1x128xf32, #tpu.memory_space<vmem>>, %arg4: memref<12544x128xf32, #tpu.memory_space<vmem>>) attributes {dimension_semantics = [#tpu.dimension_semantics<arbitrary>], iteration_bounds = array<i64: 2>, scalar_prefetch = 0 : i64, scratch_operands = 0 : i64, tpu.core_type = #tpu.core_type<tc>, window_params = [{transform_indices = @transform_0, window_bounds = array<i64: 12544, 128>}, {pipeline_mode = #tpu.pipeline_mode<synchronous>, transform_indices = @transform_1, window_bounds = array<i64: 128, 128>}, {pipeline_mode = #tpu.pipeline_mode<synchronous>, transform_indices = @transform_2, window_bounds = array<i64: 1, 128>}, {transform_indices = @transform_3, window_bounds = array<i64: 12544, 128>}]} {
    %get3A = arith.constant 0 : index
    %get3A_0 = arith.constant 0 : index
    %get3A_1 = vector.load %arg1[%get3A, %get3A_0] : memref<12544x128xf32, #tpu.memory_space<vmem>>, vector<12544x128xf32>
    %get3A_2 = arith.constant 0 : index
    %get3A_3 = arith.constant 0 : index
    %get3A_4 = vector.load %arg2[%get3A_2, %get3A_3] : memref<128x128xf32, #tpu.memory_space<vmem>>, vector<128x128xf32>
    %dot_general3A = arith.constant dense<0.000000e+00> : vector<12544x128xf32>
    %dot_general3A_5 = tpu.matmul %get3A_1, %get3A_4, %dot_general3A {dimension_numbers = #tpu.dot_dimension_numbers<[1], [1], [0], [0], [0, 0, 1, 0], [], []>, transpose_lhs_hint = false} : vector<12544x128xf32>, vector<128x128xf32>, vector<12544x128xf32> -> vector<12544x128xf32>
    %get3A_6 = arith.constant 0 : index
    %get3A_7 = arith.constant 0 : index
    %get3A_8 = vector.load %arg3[%get3A_6, %get3A_7] : memref<1x128xf32, #tpu.memory_space<vmem>>, vector<1x128xf32>
    %add3A = vector.broadcast %get3A_8 : vector<1x128xf32> to vector<12544x128xf32>
    %add3A_9 = arith.addf %dot_general3A_5, %add3A : vector<12544x128xf32>
    %swap3A = arith.constant 0 : index
    %swap3A_10 = arith.constant 0 : index
    %swap3A_11 = vector.load %arg4[%swap3A, %swap3A_10] : memref<12544x128xf32, #tpu.memory_space<vmem>>, vector<12544x128xf32>
    tpu.vector_store %arg4[%swap3A, %swap3A_10], %add3A_9 {strides = array<i32>} : memref<12544x128xf32, #tpu.memory_space<vmem>>, vector<12544x128xf32>,
    return
  }
  func.func @transform_0(%arg0: i32) -> (i32, i32) {
    %c0_i32 = arith.constant 0 : i32
    %c0_i32_0 = arith.constant 0 : i32
    return %arg0, %c0_i32 : i32, i32
  }
  func.func @transform_1(%arg0: i32) -> (i32, i32) {
    %c0_i32 = arith.constant 0 : i32
    %c0_i32_0 = arith.constant 0 : i32
    %c0_i32_1 = arith.constant 0 : i32
    return %c0_i32, %c0_i32_0 : i32, i32
  }
  func.func @transform_2(%arg0: i32) -> (i32, i32) {
    %c0_i32 = arith.constant 0 : i32
    %c0_i32_0 = arith.constant 0 : i32
    %c0_i32_1 = arith.constant 0 : i32
    return %c0_i32, %c0_i32_0 : i32, i32
  }
  func.func @transform_3(%arg0: i32) -> (i32, i32) {
    %c0_i32 = arith.constant 0 : i32
    %c0_i32_0 = arith.constant 0 : i32
    return %arg0, %c0_i32 : i32, i32
  }
}

</mosaic_0001>

<sc_bundles>
// kernel: kernel.4.cloned.1.call-start
scs
__scs_entry_jumppad:
0x0: {  	(pc) =	sbr.rel $0x88, $3  }
0x1: {  	(tag) =	ssettag $0x0;
	lr =	simm.s32 $0x1  }
0x2: {  	[smem:$0x3F9D] =	sst lr;
	_ =	strace $0xD0000000  }
0x3: {  	_ = 	snop  }
0x4: {  	_ = 	snop  }
0x5: {  	_ = 	snop  }
0x6: {  	_ = 	snop  }
0x7: {  	_ = 	snop  }
__scs_overlays_trampoline_lowered:
0x8: {  	[smem:$0x3FAC] =	sst s0  }
0x9: {  	[smem:$0x3FAD] =	sst s1  }
0xa: {  	[smem:$0x3FAE] =	sst s2  }
0xb: {  	[smem:$0x3FAF] =	sst s3  }
0xc: {  	[smem:$0x3FB0] =	sst s4  }
0xd: {  	[smem:$0x3FB1] =	sst s5  }
0xe: {  	[smem:$0x3FB2] =	sst s6  }
0xf: {  	[smem:$0x3FB3] =	sst s7  }
0x10: {  	[smem:$0x3FB4] =	sst s8  }
0x11: {  	[smem:$0x3FB5] =	sst s9;
	s0 =	simm.s32 @!p0 $0x0  }
0x12: {  	s1 =	sld [smem:$0x3F9B];
	s0 =	simm.s32 @p0 $0x1  }
0x13: {  	[smem:$0x3FB6] =	sst s0;
	s0 =	simm.s32 @!p1 $0x0  }
0x14: {  	s2 =	sld [smem:$0x3F9A];
	s0 =	simm.s32 @p1 $0x1  }
0x15: {  	[smem:$0x3FB7] =	sst s0;
	s0 =	simm.s32 @!p2 $0x0  }
0x16: {  	s3 =	sld [smem:$0x3FDB];
	s0 =	simm.s32 @p2 $0x1  }
0x17: {  	s4 =	simm.s32 $0x1BF5;
	[smem:$0x3FB9] =	sst s0  }
0x18: {  	s0 =	sld [smem:$0x3F9C];
	_ =	swait.ge [sflag:s4], $0x0  }
0x19: {  	s7 =	sld [smem:$0x3F9D]  }
0x1a: {  	s8 =	sadd.s32 $0xFFFFE003, lr  }
0x1b: {  	s9 =	sadd.s32 $0xFFFFFEF7, lr;
	s5 =	simm.s32 $0xFFFFFFFF;
	p2 =	slt.u32 s8, $0xFFFFF086  }
0x1c: {  	p1 =	slt.u32 s9, $0xF7A;
	s5 =	simm.s32 @!p2 $0x0  }
0x1d: {  	s5 =	simm.s32 @p1 $0x1;
	p0 =	seq.s32 s7, s2  }
0x1e: {  	s7 =	smul.u32 @!p0 $0xF7A, s2;
	p2 =	seq.s32 @!p0 s5, $0x0  }
0x1f: {  	s9 =	smul.u32 $0xF7A, s1;
	s8 =	simm.s32 @!p0 $0x1BF5;
	p2 =	por !p2, p0  }
0x20: {  	[sflag:s8] =	ssyncset.s32 @!p0 $0xFFFFF086;
	s6 =	sadd.s32 @!p0 s3, s7;
	s7 =	simm.s32 @!p0 $0x108  }
0x21: {  	s3 =	sadd.s32 s3, s9;
	s6 =	sadd.s32 @!p0 $0x88, s6;
	s7 =	simm.s32 @p2 $0x1082  }
0x22: {  	[simem:s7], [sflag:s8] =	dma.local @!p0 [hbm:s6], $0xF7A  }
0x23: {  	s9 =	sor.u32 $0xD0000000, s2;
	s6 =	simm.s32 $0x108;
	_ =	swait.ge @!p0 [sflag:s8], $0x0  }
0x24: {  	s3 =	sadd.s32 $0x88, s3;
	s6 =	simm.s32 @!p1 $0x1082;
	[sflag:s4] =	ssyncset.s32 $0xFFFFF086  }
0x25: {  	[simem:s6], [sflag:s4] =	dma.local [hbm:s3], $0xF7A  }
0x26: {  	[smem:$0x3F9D] =	sst s1;
	(tag) =	ssettag s2;
	_ =	strace s9  }
0x27: {  	s1 =	sld [smem:$0x3FAD]  }
0x28: {  	s2 =	sld [smem:$0x3FAE]  }
0x29: {  	s4 =	sld [smem:$0x3FB0]  }
0x2a: {  	p0 =	seq.s32 s5, $0x0;
	s5 =	sld [smem:$0x3FB1]  }
0x2b: {  	s6 =	sld [smem:$0x3FB2]  }
0x2c: {  	s7 =	sld [smem:$0x3FB3]  }
0x2d: {  	s3 =	simm.s32 $0x108;
	s8 =	sld [smem:$0x3FB4]  }
0x2e: {  	s3 =	simm.s32 @!p0 $0x1082;
	s9 =	sld [smem:$0x3FB5]  }
0x2f: {  	lr =	sadd.s32 s0, s3;
	s0 =	sld [smem:$0x3FAC]  }
0x30: {  	s3 =	sld [smem:$0x3FAF]  }
0x31: {  	[smem:$0x3FB8] =	sst s10  }
0x32: {  	s10 =	sld [smem:$0x3FB6];
	_ =	sdelay $0x3  }
0x33: {  	p0 =	seq.s32 s10, $0x1;
	s10 =	sld [smem:$0x3FB8];
	_ =	sdelay $0x3  }
0x34: {  	[smem:$0x3FB8] =	sst s10  }
0x35: {  	s10 =	sld [smem:$0x3FB7];
	_ =	sdelay $0x3  }
0x36: {  	p1 =	seq.s32 s10, $0x1;
	s10 =	sld [smem:$0x3FB8];
	_ =	sdelay $0x3  }
0x37: {  	[smem:$0x3FB8] =	sst s10  }
0x38: {  	s10 =	sld [smem:$0x3FB9]  }
0x39: {  	_ = 	snop;
	(pc) =	sbr.ind lr, $3  }
0x3a: {  	_ = 	snop  }
0x3b: {  	_ = 	snop  }
0x3c: {  	p2 =	seq.s32 s10, $0x1;
	s10 =	sld [smem:$0x3FB8]  }
0x3d: {  	_ =	shalt  }
0x3e: {  	_ =	shalt  }
0x3f: {  	_ =	shalt  }
0x40: {  	_ =	shalt  }
0x41: {  	_ =	shalt  }
0x42: {  	_ =	shalt  }
0x43: {  	_ =	shalt  }
0x44: {  	_ =	shalt  }
0x45: {  	_ =	shalt  }
0x46: {  	_ =	shalt  }
0x47: {  	_ =	shalt  }
0x48: {  	_ =	shalt  }
0x49: {  	_ =	shalt  }
0x4a: {  	_ =	shalt  }
0x4b: {  	_ =	shalt  }
0x4c: {  	_ =	shalt  }
0x4d: {  	_ =	shalt  }
0x4e: {  	_ =	shalt  }
0x4f: {  	_ =	shalt  }
0x50: {  	_ =	shalt  }
0x51: {  	_ =	shalt  }
0x52: {  	_ =	shalt  }
0x53: {  	_ =	shalt  }
0x54: {  	_ =	shalt  }
0x55: {  	_ =	shalt  }
0x56: {  	_ =	shalt  }
0x57: {  	_ =	shalt  }
0x58: {  	_ =	shalt  }
0x59: {  	_ =	shalt  }
0x5a: {  	_ =	shalt  }
0x5b: {  	_ =	shalt  }
0x5c: {  	_ =	shalt  }
0x5d: {  	_ =	shalt  }
0x5e: {  	_ =	shalt  }
0x5f: {  	_ =	shalt  }
0x60: {  	_ =	shalt  }
0x61: {  	_ =	shalt  }
0x62: {  	_ =	shalt  }
0x63: {  	_ =	shalt  }
0x64: {  	_ =	shalt  }
0x65: {  	_ =	shalt  }
0x66: {  	_ =	shalt  }
0x67: {  	_ =	shalt  }
0x68: {  	_ =	shalt  }
0x69: {  	_ =	shalt  }
0x6a: {  	_ =	shalt  }
0x6b: {  	_ =	shalt  }
0x6c: {  	_ =	shalt  }
0x6d: {  	_ =	shalt  }
0x6e: {  	_ =	shalt  }
0x6f: {  	_ =	shalt  }
0x70: {  	_ =	shalt  }
0x71: {  	_ =	shalt  }
0x72: {  	_ =	shalt  }
0x73: {  	_ =	shalt  }
0x74: {  	_ =	shalt  }
0x75: {  	_ =	shalt  }
0x76: {  	_ =	shalt  }
0x77: {  	_ =	shalt  }
0x78: {  	_ =	shalt  }
0x79: {  	_ =	shalt  }
0x7a: {  	_ =	shalt  }
0x7b: {  	_ =	shalt  }
0x7c: {  	_ =	shalt  }
0x7d: {  	_ =	shalt  }
0x7e: {  	_ =	shalt  }
0x7f: {  	_ =	shalt  }
0x80: {  	_ =	shalt  }
0x81: {  	_ =	shalt  }
0x82: {  	_ =	shalt  }
0x83: {  	_ =	shalt  }
0x84: {  	_ =	shalt  }
0x85: {  	_ =	shalt  }
0x86: {  	_ =	shalt  }
0x87: {  	_ =	shalt  }
.Lfunc_end0:
.L_simem_size_0:
called_computation_lowered:
.L_overlay_start_0:
0x88: {  	s2 =	sld [smem:$0x3FD9]  }
0x89: {  	s3 =	sld [smem:$0x3FFE];
	_ =	sdelay $0x1  }
0x8a: {  	s1 =	srdreg.scid  }
0x8b: {  	s0 =	sand.u32 $0x1, s1  }
0x8c: {  	s17 =	sshll.u32 s0, $0xA;
	s2 =	sadd.s32 s3, s2  }
0x8d: {  	s2 =	sadd.s32 s2, s17  }
0x8e: {  	[smem:$0x3FC4] =	sst s2  }
0x8f: {  	_ = 	snop  }
0x90: {  	s2 =	sld [smem:$0x3FC9]  }
0x91: {  	s18 =	sld [smem:$0x3FD0];
	(tm) =	ssettm $0x1  }
0x92: {  	s4 =	sld [smem:$0x3FFB];
	_ =	sdelay $0x3  }
0x93: {  	_ =	strace s4  }
0x94: {  	s4 =	sld [smem:$0x3FFC];
	_ =	sdelay $0x3  }
0x95: {  	_ =	strace s4  }
0x96: {  	s4 =	sld [smem:$0x3FFD];
	_ =	sdelay $0x3  }
0x97: {  	_ =	strace s4  }
0x98: {  	_ =	strace $0x8FFFFFFF  }
0x99: {  	s19 =	sld [smem:$0x3FDB];
	_ =	sdelay $0x1  }
0x9a: {  	s5 =	simm.s32 $_scs_section_size  }
0x9b: {  	s6 =	simm.s32 $_size__tile_overlayer_lowered;
	s7 =	simm.s32 $_tile_overlayer_lowered  }
0x9c: {  	s22 =	simm.s32 $0x1BFF;
	s21 =	sshll.u32 s7, $0x1;
	s4 =	sadd.s32 s5, s19  }
0x9d: {  	s8 =	simm.s32 $0x0;
	s20 =	sshll.u32 s6, $0x1;
	s6 =	sadd.s32 s21, s4  }
0x9e: {  	[timem:s8], [sflag:s22] =	dma.local [hbm:s6], s20  }
0x9f: {  	_ =	swait.ge [sflag:s22], s20  }
0xa0: {  	s5 =	ssub.s32 $0x0, s20;
	[sflag:s22] =	ssyncset.done $0x0  }
0xa1: {  	[sflag:s22] =	ssyncadd.s32 s5;
	_ =	sdelay $0x1  }
0xa2: {  	s23 =	simm.s32 $0x1B8B  }
0xa3: {  	_ =	swait.ge [sflag:s23], $0x1  }
0xa4: {  	[sflag:s23] =	ssyncset.done $0x0  }
0xa5: {  	s25 =	simm.s32 $0x1B8E;
	s24 =	sld [smem:$0x3FFE];
	[sflag:s23] =	ssyncadd.s32 $0xFFFFFFFF  }
0xa6: {  	s26 =	simm.s32 $execute0_lowered;
	[smem:$0x3FD2] =	sst s25  }
0xa7: {  	s6 =	sshll.u32 s26, $0x1;
	_ =	strace $0x80000046;
	[dreg:$0x1] =	wrdreg $0xFFFFFFFF  }
0xa8: {  	s28 =	simm.s32 $_size_execute0_lowered;
	s4 =	sadd.s32 s4, s6;
	[dreg:$0x0] =	wrdreg $0x0  }
0xa9: {  	s6 =	sshll.u32 s28, $0x1;
	[dreg:$0x2] =	wrdreg s4  }
0xaa: {  	[dreg:$0x3] =	wrdreg s6  }
0xab: {  	[dreg:$0x4] =	wrdreg $0xC0  }
0xac: {  	_ =	task [dreg:s8], $0x5FFFF  }
0xad: {  	[dreg:$0x1] =	wrdreg $0xFFFFFFFF  }
0xae: {  	[dreg:$0x0] =	wrdreg $0x60  }
0xaf: {  	[dreg:$0x2] =	wrdreg s2  }
0xb0: {  	[dreg:$0x3] =	wrdreg s18  }
0xb1: {  	[dreg:$0x4] =	wrdreg s24  }
0xb2: {  	[dreg:$0x5] =	wrdreg $0x9  }
0xb3: {  	_ =	task.clear_ibuf [dreg:s8], $0x6FFFF;
	_ =	strace $0x90000046  }
0xb4: {  	s29 =	simm.s32 $0x9;
	_ =	strace $0x80000048  }
0xb5: {  	_ =	swait.ge [sflag:s29], $0x1  }
0xb6: {  	[sflag:s29] =	ssyncadd.s32 $0xFFFFFFFF  }
0xb7: {  	_ =	strace $0x90000048  }
0xb8: {  	_ =	sfence  }
0xb9: {  	s30 =	sld [smem:$0x0];
	_ =	sdelay $0x2  }
0xba: {  	s31 =	sshll.u32 s1, $0xD;
	s1 =	sshrl.u32 s1, $0x2  }
0xbb: {  	s3 =	sand.u32 $0x4000, s31;
	s1 =	sadd.s32 s1, s30  }
0xbc: {  	s0 =	sor.u32 s3, s0;
	s1 =	sshll.u32 s1, $0x11  }
0xbd: {  	s0 =	sor.u32 s1, s0  }
0xbe: {  	s0 =	sadd.s32 $0x8F2B, s0  }
0xbf: {  	[sflag:s0] =	ssyncadd.remote.s32 $0x1  }
0xc0: {  	_ =	sfence.sel $0xFFFF  }
0xc1: {  	[dreg:$0x0] =	wrdreg $0xFFFFFFFF;
	(pc) =	sbr.abs _section_cstart, $3  }
0xc2: {  	[dreg:$0x1] =	wrdreg $0xFFFFFFFF  }
0xc3: {  	_ =	task.clear_ibuf [dreg:s8], $0x2FFFF;
	_ =	strace $0x9FFFFFFF  }
0xc4: {  	(tm) =	ssettm $0x7FFFFFFF  }
0xc5: {  	_ =	shalt  }
tec
execute0_lowered:
.L_overlay_start_1:
0x0: {  	(tag) =	ssettag $0x1  }
0x1: {  	s1 =	rddreg [dreg:$0x0]  }
0x2: {  	s2 =	srdreg.scid;
	s0 =	stileid.u32  }
0x3: {  	s4 =	rddreg [dreg:$0x1];
	s25 =	sand.u32 $0x1, s2;
	s31 =	sshll.u32 s0, $0x1  }
0x4: {  	s26 =	rddreg [dreg:$0x2];
	s28 =	sor.u32 s25, s31  }
0x5: {  	s3 =	simm.s32 $0x0;
	s2 =	rddreg [dreg:$0x3];
	s5 =	smul.u32 $0x62, s28  }
0x6: {  	[smem:$0x7FF] =	sst s3  }
0x7: {  	_ =	strace $0x80000047;
	s5 =	sadd.s32 s4, s5;
	s4 =	simm.s32 $0x8  }
0x8: {  	[tilespmem:s3], [sflag:$0x8] =	stream.linear.gather [hbm4b:s5+s3], $0x310, $0x38;
	[tilespmem:$0x18B80] =	vst v63  }
0x9: {  	_ =	swait.ge [sflag:s4], $0x310  }
0xa: {  	[sflag:s4] =	ssyncset.done $0x0  }
0xb: {  	s6 =	simm.s32 $0x70;
	s7 =	simm.s32 $0x380;
	[sflag:s4] =	ssyncadd.s32 $0xFFFFFCF0  }
0xc: {  	[tilespmem:s7], [sflag:$0x1] =	stream.indirect.gather [hbm4b:s1+s6], $0x80, s3, s6, $0xb8;
	[tilespmem:$0x18B80] =	vst v63  }
0xd: {  	s8 =	simm.s32 $0x3B80  }
0xe: {  	[tilespmem:s8], [sflag:$0x2] =	stream.indirect.gather [hbm4b:s1+s6], $0x80, s6, s6, $0xb8;
	[tilespmem:$0x18B80] =	vst v63  }
0xf: {  	s9 =	simm.s32 $0xE0;
	s10 =	simm.s32 $0x7380  }
0x10: {  	[tilespmem:s10], [sflag:$0x3] =	stream.indirect.gather [hbm4b:s1+s6], $0x80, s9, s6, $0xb8;
	[tilespmem:$0x18B80] =	vst v63  }
0x11: {  	s11 =	simm.s32 $0x150;
	s12 =	simm.s32 $0xAB80  }
0x12: {  	[tilespmem:s12], [sflag:$0x4] =	stream.indirect.gather [hbm4b:s1+s6], $0x80, s11, s6, $0xb8;
	[tilespmem:$0x18B80] =	vst v63  }
0x13: {  	s13 =	simm.s32 $0x1C0;
	s14 =	simm.s32 $0xE380  }
0x14: {  	[tilespmem:s14], [sflag:$0x5] =	stream.indirect.gather [hbm4b:s1+s6], $0x80, s13, s6, $0xb8;
	[tilespmem:$0x18B80] =	vst v63  }
0x15: {  	s15 =	simm.s32 $0x230;
	s16 =	simm.s32 $0x11B80  }
0x16: {  	[tilespmem:s16], [sflag:$0x6] =	stream.indirect.gather [hbm4b:s1+s6], $0x80, s15, s6, $0xb8;
	[tilespmem:$0x18B80] =	vst v63  }
0x17: {  	s17 =	simm.s32 $0x2A0;
	s18 =	simm.s32 $0x15380;
	s19 =	simm.s32 $0x1  }
0x18: {  	[tilespmem:s18], [sflag:$0x7] =	stream.indirect.gather [hbm4b:s1+s6], $0x80, s17, s6, $0xb8;
	[tilespmem:$0x18B80] =	vst v63  }
0x19: {  	_ =	swait.ge [sflag:s19], $0x3800  }
0x1a: {  	[sflag:s19] =	ssyncset.done $0x0  }
0x1b: {  	s20 =	simm.s32 $0x2;
	[sflag:s19] =	ssyncadd.s32 $0xFFFFC800  }
0x1c: {  	_ =	swait.ge [sflag:s20], $0x3800  }
0x1d: {  	[sflag:s20] =	ssyncset.done $0x0  }
0x1e: {  	s21 =	simm.s32 $0x3;
	[sflag:s20] =	ssyncadd.s32 $0xFFFFC800  }
0x1f: {  	_ =	swait.ge [sflag:s21], $0x3800  }
0x20: {  	[sflag:s21] =	ssyncset.done $0x0  }
0x21: {  	s22 =	simm.s32 $0x4;
	[sflag:s21] =	ssyncadd.s32 $0xFFFFC800  }
0x22: {  	_ =	swait.ge [sflag:s22], $0x3800  }
0x23: {  	[sflag:s22] =	ssyncset.done $0x0  }
0x24: {  	s23 =	simm.s32 $0x5;
	[sflag:s22] =	ssyncadd.s32 $0xFFFFC800  }
0x25: {  	_ =	swait.ge [sflag:s23], $0x3800  }
0x26: {  	s24 =	simm.s32 $0x6;
	[sflag:s23] =	ssyncset.done $0x0  }
0x27: {  	s29 =	ssub.s32 $0x2, s25;
	s28 =	smul.u32 $0x3100, s28;
	[sflag:s23] =	ssyncadd.s32 $0xFFFFC800  }
0x28: {  	s30 =	sshrl.u32 s29, $0x1;
	_ =	swait.ge [sflag:s24], $0x3800  }
0x29: {  	s26 =	sadd.s32 s28, s26;
	s28 =	ssub.s32 s29, s30;
	[sflag:s24] =	ssyncset.done $0x0  }
0x2a: {  	s25 =	simm.s32 $0x7;
	s28 =	smax.u32 s28, $0x1;
	[sflag:s24] =	ssyncadd.s32 $0xFFFFC800  }
0x2b: {  	p0 =	sne.s32 s28, $0x1;
	_ =	swait.ge [sflag:s25], $0x3800  }
.Ltmp0:
0x2c: {  	[sflag:s25] =	ssyncset.done $0x0;
	(pc) =	sbr.rel @!p0 .LBB2_2-.Ltmp0, $4  }
0x2d: {  	s26 =	sadd.s32 $0xA00, s26;
	[sflag:s25] =	ssyncadd.s32 $0xFFFFC800  }
0x2e: {  	[hbm4b:s26+s3] =	stream.linear.scatter [tilespmem:s7], [sflag:$0x8], $0x18800, $0x38;
	[tilespmem:$0x18B80] =	vst v63  }
0x2f: {  	_ =	swait.ge [sflag:s4], $0x18800  }
0x30: {  	s28 =	sadd.s32 $0xFFFFFFFF, s28;
	[sflag:s4] =	ssyncset.done $0x0  }
.LBB2_1:
0x31: {  	p0 =	sne.s32 s28, $0x1;
	s28 =	sadd.s32 $0xFFFFFFFF, s28;
	[sflag:s4] =	ssyncadd.s32 $0xFFFE7800  }
0x32: {  	[tilespmem:s3], [sflag:$0x8] =	stream.linear.gather [hbm4b:s5+s3], $0x310, $0x38;
	[tilespmem:$0x18B80] =	vst v63  }
0x33: {  	_ =	swait.ge [sflag:s4], $0x310  }
0x34: {  	[sflag:s4] =	ssyncset.done $0x0  }
0x35: {  	[sflag:s4] =	ssyncadd.s32 $0xFFFFFCF0  }
0x36: {  	[tilespmem:s7], [sflag:$0x1] =	stream.indirect.gather [hbm4b:s1+s6], $0x80, s3, s6, $0xb8;
	[tilespmem:$0x18B80] =	vst v63  }
0x37: {  	_ = 	snop  }
0x38: {  	[tilespmem:s8], [sflag:$0x2] =	stream.indirect.gather [hbm4b:s1+s6], $0x80, s6, s6, $0xb8;
	[tilespmem:$0x18B80] =	vst v63  }
0x39: {  	_ = 	snop  }
0x3a: {  	[tilespmem:s10], [sflag:$0x3] =	stream.indirect.gather [hbm4b:s1+s6], $0x80, s9, s6, $0xb8;
	[tilespmem:$0x18B80] =	vst v63  }
0x3b: {  	_ = 	snop  }
0x3c: {  	[tilespmem:s12], [sflag:$0x4] =	stream.indirect.gather [hbm4b:s1+s6], $0x80, s11, s6, $0xb8;
	[tilespmem:$0x18B80] =	vst v63  }
0x3d: {  	_ = 	snop  }
0x3e: {  	[tilespmem:s14], [sflag:$0x5] =	stream.indirect.gather [hbm4b:s1+s6], $0x80, s13, s6, $0xb8;
	[tilespmem:$0x18B80] =	vst v63  }
0x3f: {  	_ = 	snop  }
0x40: {  	[tilespmem:s16], [sflag:$0x6] =	stream.indirect.gather [hbm4b:s1+s6], $0x80, s15, s6, $0xb8;
	[tilespmem:$0x18B80] =	vst v63  }
0x41: {  	_ = 	snop  }
0x42: {  	[tilespmem:s18], [sflag:$0x7] =	stream.indirect.gather [hbm4b:s1+s6], $0x80, s17, s6, $0xb8;
	[tilespmem:$0x18B80] =	vst v63  }
0x43: {  	_ =	swait.ge [sflag:s19], $0x3800  }
0x44: {  	[sflag:s19] =	ssyncset.done $0x0  }
0x45: {  	[sflag:s19] =	ssyncadd.s32 $0xFFFFC800  }
0x46: {  	_ =	swait.ge [sflag:s20], $0x3800  }
0x47: {  	[sflag:s20] =	ssyncset.done $0x0  }
0x48: {  	[sflag:s20] =	ssyncadd.s32 $0xFFFFC800  }
0x49: {  	_ =	swait.ge [sflag:s21], $0x3800  }
0x4a: {  	[sflag:s21] =	ssyncset.done $0x0  }
0x4b: {  	[sflag:s21] =	ssyncadd.s32 $0xFFFFC800  }
0x4c: {  	_ =	swait.ge [sflag:s22], $0x3800  }
0x4d: {  	[sflag:s22] =	ssyncset.done $0x0  }
0x4e: {  	[sflag:s22] =	ssyncadd.s32 $0xFFFFC800  }
0x4f: {  	_ =	swait.ge [sflag:s23], $0x3800  }
0x50: {  	[sflag:s23] =	ssyncset.done $0x0  }
0x51: {  	[sflag:s23] =	ssyncadd.s32 $0xFFFFC800  }
0x52: {  	_ =	swait.ge [sflag:s24], $0x3800  }
0x53: {  	[sflag:s24] =	ssyncset.done $0x0  }
0x54: {  	[sflag:s24] =	ssyncadd.s32 $0xFFFFC800  }
0x55: {  	_ =	swait.ge [sflag:s25], $0x3800  }
.Ltmp1:
0x56: {  	[sflag:s25] =	ssyncset.done $0x0;
	(pc) =	sbr.rel @p0 .LBB2_1-.Ltmp1, $4  }
0x57: {  	[sflag:s25] =	ssyncadd.s32 $0xFFFFC800  }
0x58: {  	[hbm4b:s26+s3] =	stream.linear.scatter [tilespmem:s7], [sflag:$0x8], $0x18800, $0x38;
	[tilespmem:$0x18B80] =	vst v63  }
0x59: {  	_ =	swait.ge [sflag:s4], $0x18800  }
0x5a: {  	[sflag:s4] =	ssyncset.done $0x0  }
.LBB2_2:
0x5b: {  	[sflag:s4] =	ssyncadd.s32 $0xFFFE7800  }
0x5c: {  	_ =	sfence.sel $0x180000  }
0x5d: {  	[bflag:$0x0] =	sbarrier.arrive $0xFFFF  }
0x5e: {  	p0 =	sne.s32 s0, $0x0;
	_ =	strace $0x90000047  }
0x5f: {  	s0 =	sadd.s32 @!p0 $0x100000, s2;
	[bflag:$0x2] =	sbarrier.arrive $0xFFFF  }
0x60: {  	[sflag:s0] =	ssyncadd.tile.s32 @!p0 $0x1;
	_ =	shalt  }
.Lfunc_end2:
_tile_overlayer_lowered:
.L_overlay_start_2:
0x61: {  	(tag) =	ssettag $0x2  }
0x62: {  	s0 =	rddreg [dreg:$0x0];
	s2 =	stileid.u32  }
0x63: {  	s1 =	rddreg [dreg:$0x1];
	p0 =	sne.s32 s2, $0x0  }
0x64: {  	s3 =	rddreg [dreg:$0x2];
	[bflag:$0x3] =	sbarrier.arrive $0xFFFF;
	s2 =	simm.s32 @!p0 $0x1C08  }
0x65: {  	[timem:s3], [sflag:s2] =	dma.local @!p0 [hbm:s0], s1  }
0x66: {  	s0 =	simm.s32 @!p0 $0x8  }
0x67: {  	_ =	swait.ge @!p0 [sflag:s0], s1  }
0x68: {  	s1 =	ssub.s32 @!p0 $0x0, s1;
	[sflag:s0] =	ssyncset.done @!p0 $0x0  }
0x69: {  	[sflag:s0] =	ssyncadd.s32 @!p0 s1  }
0x6a: {  	[bflag:$0x3] =	sbarrier.arrive $0xFFFF  }
0x6b: {  	_ =	shalt  }

</sc_bundles>
